<compile_context>
chip_gen: v7x
topology: tpu7x:2x2x1
jax: 0.10.2.dev20260603
libtpu: 0.0.44.dev20260713+nightly
codegen_flags: <defaults>
</compile_context>

<pallas_src>
import functools

import jax
import jax.numpy as jnp
from jax import lax
from jax.experimental import pallas as pl
from jax.experimental.pallas import tpu as pltpu
from jax.experimental.pallas import tpu_sc as plsc

_B = 16384
_C = 84
_L = 3
_NW = 32
_ROWS = _L * _C
_KMAX = (_ROWS + _NW - 1) // _NW
_NSLOT = 4


def _sc_body(s_hbm, neg_hbm, mf_hbm, out_hbm, mask_v, fill_v, buf_v,
             sem_fill, sem_g, sem_s):
    nc = 2
    wid = lax.axis_index("s") * nc + lax.axis_index("c")

    pltpu.sync_copy(neg_hbm, fill_v)
    pltpu.sync_copy(mf_hbm, mask_v)

    def _row_lc(k):
        r = wid + k * _NW
        l = r // _C
        c = r - l * _C
        return r, l, c

    def _flag(r):
        return mask_v[pl.ds(r, 16)][0]

    def _fire(k, qg):
        r, l, c = _row_lc(k)
        live = r < _ROWS
        flag = _flag(jnp.where(live, r, 0))
        iscopy = jnp.logical_and(live, flag == 0)
        isfill = jnp.logical_and(live, flag != 0)

        @pl.when(isfill)
        def _():
            pltpu.async_copy(fill_v, out_hbm.at[l, c], sem_fill)

        @pl.when(jnp.logical_and(iscopy, qg < _NSLOT))
        def _():
            pltpu.async_copy(s_hbm.at[c], buf_v.at[qg], sem_g.at[qg])

        return qg + iscopy.astype(jnp.int32)

    nfill_total = lax.fori_loop(0, _KMAX, _fire, jnp.int32(0))
    del nfill_total

    def _pump(k, qc):
        r, l, c = _row_lc(k)
        live = r < _ROWS
        flag = _flag(jnp.where(live, r, 0))
        iscopy = jnp.logical_and(live, flag == 0)
        slot = lax.rem(qc, _NSLOT)

        @pl.when(iscopy)
        def _():
            @pl.when(qc >= _NSLOT)
            def _():
                pltpu.make_async_copy(buf_v.at[slot], out_hbm.at[l, c],
                                      sem_s.at[slot]).wait()
                pltpu.async_copy(s_hbm.at[c], buf_v.at[slot], sem_g.at[slot])

            pltpu.make_async_copy(s_hbm.at[c], buf_v.at[slot],
                                  sem_g.at[slot]).wait()
            pltpu.async_copy(buf_v.at[slot], out_hbm.at[l, c], sem_s.at[slot])

        return qc + iscopy.astype(jnp.int32)

    ncopy = lax.fori_loop(0, _KMAX, _pump, jnp.int32(0))

    def _drain_s(s, carry):
        @pl.when(s < jnp.minimum(ncopy, _NSLOT))
        def _():
            pltpu.make_async_copy(buf_v.at[0], out_hbm.at[0, 0],
                                  sem_s.at[s]).wait()
        return carry

    lax.fori_loop(0, _NSLOT, _drain_s, 0)

    def _drain_f(k, carry):
        r, l, c = _row_lc(k)
        live = r < _ROWS
        flag = _flag(jnp.where(live, r, 0))
        isfill = jnp.logical_and(live, flag != 0)

        @pl.when(isfill)
        def _():
            pltpu.make_async_copy(fill_v, out_hbm.at[l, c], sem_fill).wait()

        return carry

    lax.fori_loop(0, _KMAX, _drain_f, 0)


def kernel(scores, M):
    B, C = scores.shape
    L = M.shape[0]
    sT = jnp.swapaxes(scores, 0, 1)
    neg_row = jnp.full((B,), -jnp.inf, dtype=jnp.float32)
    mflags = jnp.pad(M.astype(jnp.int32).reshape(L * C), (0, 20))

    mesh = plsc.VectorSubcoreMesh(core_axis_name="c", subcore_axis_name="s")
    k = functools.partial(
        pl.kernel,
        mesh=mesh,
        out_type=jax.ShapeDtypeStruct((L, C, B), jnp.float32),
        scratch_types=[
            pltpu.VMEM((_ROWS + 20,), jnp.int32),
            pltpu.VMEM((B,), jnp.float32),
            pltpu.VMEM((_NSLOT, B), jnp.float32),
            pltpu.SemaphoreType.DMA,
            pltpu.SemaphoreType.DMA((_NSLOT,)),
            pltpu.SemaphoreType.DMA((_NSLOT,)),
        ],
    )(_sc_body)
    outT = k(sT, neg_row, mflags)
    return jnp.transpose(outT, (2, 0, 1))

# --- scband reference (transcript-rebuilt; emitter-appended) ---
"""Pipeline reference for scband-class-tree-6983616823353 (READ-ONLY COPY).

The authoritative reference and input builder live on the scoring server;
editing this copy changes nothing except your own understanding.
"""

import jax, jax.numpy as jnp
import numpy as np


def _build_paths():
    # 4 roots, each with 4 children, each child with 4 grandchildren -> 84 classes, depth 3
    paths = [[r] for r in range(4)]
    for r in range(4):
        for c in range(4):
            paths.append([r, 4 + 4 * r + c])
    for ci in range(16):
        r = ci // 4
        child = 4 + ci
        for g in range(4):
            paths.append([r, child, 20 + 4 * ci + g])
    return paths


def setup_inputs(seed: int = 0) -> dict:
    key = jax.random.key(seed)
    paths = _build_paths()
    n_classes = len(paths)  # 84
    n_levels = max(len(p) for p in paths)  # 3
    pad_value = -1
    P = np.array([p + [pad_value] * (n_levels - len(p)) for p in paths], dtype=np.int64)
    # M[l, c] True means class c is NOT on the path at level l -> gets masked with min_score
    M = jnp.asarray(P.T != np.arange(n_classes)[None, :])  # [n_levels, n_classes] bool buffer
    scores = jax.random.normal(key, (16384, n_classes), dtype=jnp.float32)
    return {"scores": scores, "M": M}


def reference(scores, M):
    # Faithful translation of ClassTree.map_scores:
    #   scores.unsqueeze(-2).masked_fill(M, min_score)
    min_score = jnp.array(float('-inf'), dtype=scores.dtype)
    return jnp.where(M, min_score, scores[..., None, :])

if __name__ == "__main__":
    import jax
    _d = setup_inputs()
    print(jax.jit(kernel)(*tuple(_d.values())))

</pallas_src>

<mosaic_0001>
#map = affine_map<(d0, d1) -> (0, 0)>
#map1 = affine_map<(d0, d1) -> (0)>
#map2 = affine_map<(d0, d1) -> (0, 0, 0)>
module attributes {stable_mosaic.version = 14 : i64} {
  func.func @_sc_body(%arg0: i32, %arg1: i32, %arg2: memref<84x16384xf32, #tpu.memory_space<hbm>>, %arg3: memref<16384xf32, #tpu.memory_space<hbm>>, %arg4: memref<272xi32, #tpu.memory_space<hbm>>, %arg5: memref<3x84x16384xf32, #tpu.memory_space<hbm>>, %arg6: memref<272xi32, #tpu.memory_space<vmem>>, %arg7: memref<16384xf32, #tpu.memory_space<vmem>>, %arg8: memref<4x16384xf32, #tpu.memory_space<vmem>>, %arg9: memref<!tpu.dma_semaphore, #tpu.memory_space<semaphore_mem>>, %arg10: memref<4x!tpu.dma_semaphore, #tpu.memory_space<semaphore_mem>>, %arg11: memref<4x!tpu.dma_semaphore, #tpu.memory_space<semaphore_mem>>) attributes {dimension_semantics = [#tpu.dimension_semantics<core_parallel>, #tpu.dimension_semantics<subcore_parallel>], iteration_bounds = array<i64: 2, 16>, scalar_prefetch = 0 : i64, scratch_operands = 6 : i64, tpu.core_type = #tpu.core_type<sc_vector_subcore>, window_params = [{transform_indices = #map}, {transform_indices = #map1}, {transform_indices = #map1}, {transform_indices = #map2}]} {
    %mul3A = arith.constant 2 : i32
    %mul3A_0 = arith.muli %arg1, %mul3A : i32
    %add3A = arith.addi %mul3A_0, %arg0 : i32
    "tpu.region"() ({
      %run_scoped3A = tpu.sem_alloc : memref<!tpu.dma_semaphore, #tpu.memory_space<semaphore_mem>>
      tpu.enqueue_dma source(%arg3 : memref<16384xf32, #tpu.memory_space<hbm>>) target(%arg7 : memref<16384xf32, #tpu.memory_space<vmem>>) target_semaphore(%run_scoped3A : memref<!tpu.dma_semaphore, #tpu.memory_space<semaphore_mem>>)
      tpu.wait_dma2 semaphore(%run_scoped3A : memref<!tpu.dma_semaphore, #tpu.memory_space<semaphore_mem>>) src(%arg3 : memref<16384xf32, #tpu.memory_space<hbm>>) dst(%arg7 : memref<16384xf32, #tpu.memory_space<vmem>>)
      tpu.yield
    }) : () -> ()
    "tpu.region"() ({
      %run_scoped3A = tpu.sem_alloc : memref<!tpu.dma_semaphore, #tpu.memory_space<semaphore_mem>>
      tpu.enqueue_dma source(%arg4 : memref<272xi32, #tpu.memory_space<hbm>>) target(%arg6 : memref<272xi32, #tpu.memory_space<vmem>>) target_semaphore(%run_scoped3A : memref<!tpu.dma_semaphore, #tpu.memory_space<semaphore_mem>>)
      tpu.wait_dma2 semaphore(%run_scoped3A : memref<!tpu.dma_semaphore, #tpu.memory_space<semaphore_mem>>) src(%arg4 : memref<272xi32, #tpu.memory_space<hbm>>) dst(%arg6 : memref<272xi32, #tpu.memory_space<vmem>>)
      tpu.yield
    }) : () -> ()
    %scan3A = arith.constant 0 : i32
    %scan3A_1 = arith.constant 0 : i32
    %scan3A_2 = arith.constant 8 : i32
    %scan3A_3 = arith.addi %scan3A_1, %scan3A_2 : i32
    %scan3A_4 = arith.constant 1 : i32
    %scan3A_5 = scf.for %scan3A_26 = %scan3A_1 to %scan3A_3 step %scan3A_4 iter_args(%scan3A_27 = %scan3A) -> (i32)  : i32 {
      %mul3A_28 = arith.constant 32 : i32
      %mul3A_29 = arith.muli %scan3A_26, %mul3A_28 : i32
      %add3A_30 = arith.addi %add3A, %mul3A_29 : i32
      %jit3A = arith.constant 84 : i32
      %div3A = arith.divsi %add3A_30, %jit3A : i32
      %sign3A = arith.constant 0 : i32
      %sign3A_31 = arith.cmpi sgt, %add3A_30, %sign3A : i32
      %sign3A_32 = arith.extui %sign3A_31 : i1 to i32
      %sign3A_33 = arith.constant 0 : i32
      %sign3A_34 = arith.cmpi slt, %add3A_30, %sign3A_33 : i32
      %sign3A_35 = arith.extui %sign3A_34 : i1 to i32
      %sign3A_36 = arith.subi %sign3A_32, %sign3A_35 : i32
      %sign3A_37 = arith.constant 0 : i32
      %sign3A_38 = arith.cmpi sgt, %jit3A, %sign3A_37 : i32
      %sign3A_39 = arith.extui %sign3A_38 : i1 to i32
      %sign3A_40 = arith.constant 0 : i32
      %sign3A_41 = arith.cmpi slt, %jit3A, %sign3A_40 : i32
      %sign3A_42 = arith.extui %sign3A_41 : i1 to i32
      %sign3A_43 = arith.subi %sign3A_39, %sign3A_42 : i32
      %ne3A = arith.cmpi ne, %sign3A_36, %sign3A_43 : i32
      %rem3A = arith.remsi %add3A_30, %jit3A : i32
      %ne3A_44 = arith.constant 0 : i32
      %ne3A_45 = arith.cmpi ne, %rem3A, %ne3A_44 : i32
      %and3A = arith.andi %ne3A, %ne3A_45 : i1
      %sub3A = arith.constant 1 : i32
      %sub3A_46 = arith.subi %div3A, %sub3A : i32
      %select_n3A = arith.select %and3A, %sub3A_46, %div3A : i32
      %mul3A_47 = arith.constant 84 : i32
      %mul3A_48 = arith.muli %select_n3A, %mul3A_47 : i32
      %sub3A_49 = arith.subi %add3A_30, %mul3A_48 : i32
      %lt3A = arith.constant 252 : i32
      %lt3A_50 = arith.cmpi slt, %add3A_30, %lt3A : i32
      %jit3A_51 = arith.constant 0 : i32
      %select_n3A_52 = arith.select %lt3A_50, %add3A_30, %jit3A_51 : i32
      %get3A = arith.index_cast %select_n3A_52 : i32 to index
      %get3A_53 = tpu.vector_load %arg6[%get3A] {strides = array<i32>} : memref<272xi32, #tpu.memory_space<vmem>>, vector<16xi32>,
      %get3A_54 = vector.shape_cast %get3A_53 : vector<16xi32> to vector<16xi32>
      %slice3A = vector.extract_strided_slice %get3A_54 {offsets = [0], sizes = [1], strides = [1]} : vector<16xi32> to vector<1xi32>
      %squeeze3A = vector.extract %slice3A[0] : i32 from vector<1xi32>
      %eq3A = arith.constant 0 : i32
      %eq3A_55 = arith.cmpi eq, %squeeze3A, %eq3A : i32
      %and3A_56 = arith.andi %lt3A_50, %eq3A_55 : i1
      %ne3A_57 = arith.constant 0 : i32
      %ne3A_58 = arith.cmpi ne, %squeeze3A, %ne3A_57 : i32
      %and3A_59 = arith.andi %lt3A_50, %ne3A_58 : i1
      %convert_element_type3A = arith.extui %and3A_59 : i1 to i32
      %cond3A = arith.constant 0 : i32
      %cond3A_60 = arith.cmpi ne, %convert_element_type3A, %cond3A : i32
      scf.if %cond3A_60 {
        %dma_start3A = arith.constant 0 : i32
        %dma_start3A_69 = tpu.memref_slice %arg5[%select_n3A, %sub3A_49, %dma_start3A] : memref<3x84x16384xf32, #tpu.memory_space<hbm>> -> memref<1x1x16384xf32, #tpu.memory_space<hbm>>
        %dma_start3A_70 = tpu.memref_squeeze %dma_start3A_69 : memref<1x1x16384xf32, #tpu.memory_space<hbm>> -> memref<16384xf32, #tpu.memory_space<hbm>>
        %dma_start3A_71 = arith.constant 0 : i32
        %dma_start3A_72 = tpu.memref_slice %arg5[%select_n3A, %sub3A_49, %dma_start3A_71] : memref<3x84x16384xf32, #tpu.memory_space<hbm>> -> memref<1x1x16384xf32, #tpu.memory_space<hbm>>
        %dma_start3A_73 = tpu.memref_squeeze %dma_start3A_72 : memref<1x1x16384xf32, #tpu.memory_space<hbm>> -> memref<16384xf32, #tpu.memory_space<hbm>>
        tpu.enqueue_dma source(%arg7 : memref<16384xf32, #tpu.memory_space<vmem>>) target(%dma_start3A_73 : memref<16384xf32, #tpu.memory_space<hbm>>) target_semaphore(%arg9 : memref<!tpu.dma_semaphore, #tpu.memory_space<semaphore_mem>>)
      } else {
      }
      %lt3A_61 = arith.constant 4 : i32
      %lt3A_62 = arith.cmpi slt, %scan3A_27, %lt3A_61 : i32
      %and3A_63 = arith.andi %and3A_56, %lt3A_62 : i1
      %convert_element_type3A_64 = arith.extui %and3A_63 : i1 to i32
      %cond3A_65 = arith.constant 0 : i32
      %cond3A_66 = arith.cmpi ne, %convert_element_type3A_64, %cond3A_65 : i32
      scf.if %cond3A_66 {
        %dma_start3A = arith.constant 0 : i32
        %dma_start3A_69 = tpu.memref_slice %arg8[%scan3A_27, %dma_start3A] : memref<4x16384xf32, #tpu.memory_space<vmem>> -> memref<1x16384xf32, #tpu.memory_space<vmem>>
        %dma_start3A_70 = tpu.memref_squeeze %dma_start3A_69 : memref<1x16384xf32, #tpu.memory_space<vmem>> -> memref<16384xf32, #tpu.memory_space<vmem>>
        %dma_start3A_71 = arith.constant 0 : i32
        %dma_start3A_72 = tpu.memref_slice %arg2[%sub3A_49, %dma_start3A_71] : memref<84x16384xf32, #tpu.memory_space<hbm>> -> memref<1x16384xf32, #tpu.memory_space<hbm>>
        %dma_start3A_73 = tpu.memref_squeeze %dma_start3A_72 : memref<1x16384xf32, #tpu.memory_space<hbm>> -> memref<16384xf32, #tpu.memory_space<hbm>>
        %dma_start3A_74 = tpu.memref_slice %arg10[%scan3A_27] : memref<4x!tpu.dma_semaphore, #tpu.memory_space<semaphore_mem>> -> memref<1x!tpu.dma_semaphore, #tpu.memory_space<semaphore_mem>>
        %dma_start3A_75 = tpu.memref_squeeze %dma_start3A_74 : memref<1x!tpu.dma_semaphore, #tpu.memory_space<semaphore_mem>> -> memref<!tpu.dma_semaphore, #tpu.memory_space<semaphore_mem>>
        %dma_start3A_76 = arith.constant 0 : i32
        %dma_start3A_77 = tpu.memref_slice %arg8[%scan3A_27, %dma_start3A_76] : memref<4x16384xf32, #tpu.memory_space<vmem>> -> memref<1x16384xf32, #tpu.memory_space<vmem>>
        %dma_start3A_78 = tpu.memref_squeeze %dma_start3A_77 : memref<1x16384xf32, #tpu.memory_space<vmem>> -> memref<16384xf32, #tpu.memory_space<vmem>>
        %dma_start3A_79 = arith.constant 0 : i32
        %dma_start3A_80 = tpu.memref_slice %arg2[%sub3A_49, %dma_start3A_79] : memref<84x16384xf32, #tpu.memory_space<hbm>> -> memref<1x16384xf32, #tpu.memory_space<hbm>>
        %dma_start3A_81 = tpu.memref_squeeze %dma_start3A_80 : memref<1x16384xf32, #tpu.memory_space<hbm>> -> memref<16384xf32, #tpu.memory_space<hbm>>
        tpu.enqueue_dma source(%dma_start3A_81 : memref<16384xf32, #tpu.memory_space<hbm>>) target(%dma_start3A_78 : memref<16384xf32, #tpu.memory_space<vmem>>) target_semaphore(%dma_start3A_75 : memref<!tpu.dma_semaphore, #tpu.memory_space<semaphore_mem>>)
      } else {
      }
      %convert_element_type3A_67 = arith.extui %and3A_56 : i1 to i32
      %add3A_68 = arith.addi %scan3A_27, %convert_element_type3A_67 : i32
      scf.yield %add3A_68 : i32
    }
    %scan3A_6 = arith.constant 8 : i32
    %scan3A_7 = arith.constant 0 : i32
    %scan3A_8 = arith.constant 0 : i32
    %scan3A_9 = arith.constant 8 : i32
    %scan3A_10 = arith.addi %scan3A_8, %scan3A_9 : i32
    %scan3A_11 = arith.constant 1 : i32
    %scan3A_12 = scf.for %scan3A_26 = %scan3A_8 to %scan3A_10 step %scan3A_11 iter_args(%scan3A_27 = %scan3A_7) -> (i32)  : i32 {
      %mul3A_28 = arith.constant 32 : i32
      %mul3A_29 = arith.muli %scan3A_26, %mul3A_28 : i32
      %add3A_30 = arith.addi %add3A, %mul3A_29 : i32
      %jit3A = arith.constant 84 : i32
      %div3A = arith.divsi %add3A_30, %jit3A : i32
      %sign3A = arith.constant 0 : i32
      %sign3A_31 = arith.cmpi sgt, %add3A_30, %sign3A : i32
      %sign3A_32 = arith.extui %sign3A_31 : i1 to i32
      %sign3A_33 = arith.constant 0 : i32
      %sign3A_34 = arith.cmpi slt, %add3A_30, %sign3A_33 : i32
      %sign3A_35 = arith.extui %sign3A_34 : i1 to i32
      %sign3A_36 = arith.subi %sign3A_32, %sign3A_35 : i32
      %sign3A_37 = arith.constant 0 : i32
      %sign3A_38 = arith.cmpi sgt, %jit3A, %sign3A_37 : i32
      %sign3A_39 = arith.extui %sign3A_38 : i1 to i32
      %sign3A_40 = arith.constant 0 : i32
      %sign3A_41 = arith.cmpi slt, %jit3A, %sign3A_40 : i32
      %sign3A_42 = arith.extui %sign3A_41 : i1 to i32
      %sign3A_43 = arith.subi %sign3A_39, %sign3A_42 : i32
      %ne3A = arith.cmpi ne, %sign3A_36, %sign3A_43 : i32
      %rem3A = arith.remsi %add3A_30, %jit3A : i32
      %ne3A_44 = arith.constant 0 : i32
      %ne3A_45 = arith.cmpi ne, %rem3A, %ne3A_44 : i32
      %and3A = arith.andi %ne3A, %ne3A_45 : i1
      %sub3A = arith.constant 1 : i32
      %sub3A_46 = arith.subi %div3A, %sub3A : i32
      %select_n3A = arith.select %and3A, %sub3A_46, %div3A : i32
      %mul3A_47 = arith.constant 84 : i32
      %mul3A_48 = arith.muli %select_n3A, %mul3A_47 : i32
      %sub3A_49 = arith.subi %add3A_30, %mul3A_48 : i32
      %lt3A = arith.constant 252 : i32
      %lt3A_50 = arith.cmpi slt, %add3A_30, %lt3A : i32
      %jit3A_51 = arith.constant 0 : i32
      %select_n3A_52 = arith.select %lt3A_50, %add3A_30, %jit3A_51 : i32
      %get3A = arith.index_cast %select_n3A_52 : i32 to index
      %get3A_53 = tpu.vector_load %arg6[%get3A] {strides = array<i32>} : memref<272xi32, #tpu.memory_space<vmem>>, vector<16xi32>,
      %get3A_54 = vector.shape_cast %get3A_53 : vector<16xi32> to vector<16xi32>
      %slice3A = vector.extract_strided_slice %get3A_54 {offsets = [0], sizes = [1], strides = [1]} : vector<16xi32> to vector<1xi32>
      %squeeze3A = vector.extract %slice3A[0] : i32 from vector<1xi32>
      %eq3A = arith.constant 0 : i32
      %eq3A_55 = arith.cmpi eq, %squeeze3A, %eq3A : i32
      %and3A_56 = arith.andi %lt3A_50, %eq3A_55 : i1
      %rem3A_57 = arith.constant 4 : i32
      %rem3A_58 = arith.remsi %scan3A_27, %rem3A_57 : i32
      %convert_element_type3A = arith.extui %and3A_56 : i1 to i32
      %cond3A = arith.constant 0 : i32
      %cond3A_59 = arith.cmpi ne, %convert_element_type3A, %cond3A : i32
      scf.if %cond3A_59 {
        %ge3A = arith.constant 4 : i32
        %ge3A_62 = arith.cmpi sge, %scan3A_27, %ge3A : i32
        %convert_element_type3A_63 = arith.extui %ge3A_62 : i1 to i32
        %cond3A_64 = arith.constant 0 : i32
        %cond3A_65 = arith.cmpi ne, %convert_element_type3A_63, %cond3A_64 : i32
        scf.if %cond3A_65 {
          %dma_wait3A_92 = arith.constant 0 : i32
          %dma_wait3A_93 = tpu.memref_slice %arg8[%rem3A_58, %dma_wait3A_92] : memref<4x16384xf32, #tpu.memory_space<vmem>> -> memref<1x16384xf32, #tpu.memory_space<vmem>>
          %dma_wait3A_94 = tpu.memref_squeeze %dma_wait3A_93 : memref<1x16384xf32, #tpu.memory_space<vmem>> -> memref<16384xf32, #tpu.memory_space<vmem>>
          %dma_wait3A_95 = arith.constant 0 : i32
          %dma_wait3A_96 = tpu.memref_slice %arg5[%select_n3A, %sub3A_49, %dma_wait3A_95] : memref<3x84x16384xf32, #tpu.memory_space<hbm>> -> memref<1x1x16384xf32, #tpu.memory_space<hbm>>
          %dma_wait3A_97 = tpu.memref_squeeze %dma_wait3A_96 : memref<1x1x16384xf32, #tpu.memory_space<hbm>> -> memref<16384xf32, #tpu.memory_space<hbm>>
          %dma_wait3A_98 = tpu.memref_slice %arg11[%rem3A_58] : memref<4x!tpu.dma_semaphore, #tpu.memory_space<semaphore_mem>> -> memref<1x!tpu.dma_semaphore, #tpu.memory_space<semaphore_mem>>
          %dma_wait3A_99 = tpu.memref_squeeze %dma_wait3A_98 : memref<1x!tpu.dma_semaphore, #tpu.memory_space<semaphore_mem>> -> memref<!tpu.dma_semaphore, #tpu.memory_space<semaphore_mem>>
          %dma_wait3A_100 = arith.constant 0 : i32
          %dma_wait3A_101 = tpu.memref_slice %arg5[%select_n3A, %sub3A_49, %dma_wait3A_100] : memref<3x84x16384xf32, #tpu.memory_space<hbm>> -> memref<1x1x16384xf32, #tpu.memory_space<hbm>>
          %dma_wait3A_102 = tpu.memref_squeeze %dma_wait3A_101 : memref<1x1x16384xf32, #tpu.memory_space<hbm>> -> memref<16384xf32, #tpu.memory_space<hbm>>
          %dma_wait3A_103 = arith.constant 0 : i32
          %dma_wait3A_104 = tpu.memref_slice %arg8[%rem3A_58, %dma_wait3A_103] : memref<4x16384xf32, #tpu.memory_space<vmem>> -> memref<1x16384xf32, #tpu.memory_space<vmem>>
          %dma_wait3A_105 = tpu.memref_squeeze %dma_wait3A_104 : memref<1x16384xf32, #tpu.memory_space<vmem>> -> memref<16384xf32, #tpu.memory_space<vmem>>
          tpu.wait_dma2 semaphore(%dma_wait3A_99 : memref<!tpu.dma_semaphore, #tpu.memory_space<semaphore_mem>>) src(%dma_wait3A_105 : memref<16384xf32, #tpu.memory_space<vmem>>) dst(%dma_wait3A_102 : memref<16384xf32, #tpu.memory_space<hbm>>)
          %dma_start3A_106 = arith.constant 0 : i32
          %dma_start3A_107 = tpu.memref_slice %arg8[%rem3A_58, %dma_start3A_106] : memref<4x16384xf32, #tpu.memory_space<vmem>> -> memref<1x16384xf32, #tpu.memory_space<vmem>>
          %dma_start3A_108 = tpu.memref_squeeze %dma_start3A_107 : memref<1x16384xf32, #tpu.memory_space<vmem>> -> memref<16384xf32, #tpu.memory_space<vmem>>
          %dma_start3A_109 = arith.constant 0 : i32
          %dma_start3A_110 = tpu.memref_slice %arg2[%sub3A_49, %dma_start3A_109] : memref<84x16384xf32, #tpu.memory_space<hbm>> -> memref<1x16384xf32, #tpu.memory_space<hbm>>
          %dma_start3A_111 = tpu.memref_squeeze %dma_start3A_110 : memref<1x16384xf32, #tpu.memory_space<hbm>> -> memref<16384xf32, #tpu.memory_space<hbm>>
          %dma_start3A_112 = tpu.memref_slice %arg10[%rem3A_58] : memref<4x!tpu.dma_semaphore, #tpu.memory_space<semaphore_mem>> -> memref<1x!tpu.dma_semaphore, #tpu.memory_space<semaphore_mem>>
          %dma_start3A_113 = tpu.memref_squeeze %dma_start3A_112 : memref<1x!tpu.dma_semaphore, #tpu.memory_space<semaphore_mem>> -> memref<!tpu.dma_semaphore, #tpu.memory_space<semaphore_mem>>
          %dma_start3A_114 = arith.constant 0 : i32
          %dma_start3A_115 = tpu.memref_slice %arg8[%rem3A_58, %dma_start3A_114] : memref<4x16384xf32, #tpu.memory_space<vmem>> -> memref<1x16384xf32, #tpu.memory_space<vmem>>
          %dma_start3A_116 = tpu.memref_squeeze %dma_start3A_115 : memref<1x16384xf32, #tpu.memory_space<vmem>> -> memref<16384xf32, #tpu.memory_space<vmem>>
          %dma_start3A_117 = arith.constant 0 : i32
          %dma_start3A_118 = tpu.memref_slice %arg2[%sub3A_49, %dma_start3A_117] : memref<84x16384xf32, #tpu.memory_space<hbm>> -> memref<1x16384xf32, #tpu.memory_space<hbm>>
          %dma_start3A_119 = tpu.memref_squeeze %dma_start3A_118 : memref<1x16384xf32, #tpu.memory_space<hbm>> -> memref<16384xf32, #tpu.memory_space<hbm>>
          tpu.enqueue_dma source(%dma_start3A_119 : memref<16384xf32, #tpu.memory_space<hbm>>) target(%dma_start3A_116 : memref<16384xf32, #tpu.memory_space<vmem>>) target_semaphore(%dma_start3A_113 : memref<!tpu.dma_semaphore, #tpu.memory_space<semaphore_mem>>)
        } else {
        }
        %dma_wait3A = arith.constant 0 : i32
        %dma_wait3A_66 = tpu.memref_slice %arg8[%rem3A_58, %dma_wait3A] : memref<4x16384xf32, #tpu.memory_space<vmem>> -> memref<1x16384xf32, #tpu.memory_space<vmem>>
        %dma_wait3A_67 = tpu.memref_squeeze %dma_wait3A_66 : memref<1x16384xf32, #tpu.memory_space<vmem>> -> memref<16384xf32, #tpu.memory_space<vmem>>
        %dma_wait3A_68 = arith.constant 0 : i32
        %dma_wait3A_69 = tpu.memref_slice %arg2[%sub3A_49, %dma_wait3A_68] : memref<84x16384xf32, #tpu.memory_space<hbm>> -> memref<1x16384xf32, #tpu.memory_space<hbm>>
        %dma_wait3A_70 = tpu.memref_squeeze %dma_wait3A_69 : memref<1x16384xf32, #tpu.memory_space<hbm>> -> memref<16384xf32, #tpu.memory_space<hbm>>
        %dma_wait3A_71 = tpu.memref_slice %arg10[%rem3A_58] : memref<4x!tpu.dma_semaphore, #tpu.memory_space<semaphore_mem>> -> memref<1x!tpu.dma_semaphore, #tpu.memory_space<semaphore_mem>>
        %dma_wait3A_72 = tpu.memref_squeeze %dma_wait3A_71 : memref<1x!tpu.dma_semaphore, #tpu.memory_space<semaphore_mem>> -> memref<!tpu.dma_semaphore, #tpu.memory_space<semaphore_mem>>
        %dma_wait3A_73 = arith.constant 0 : i32
        %dma_wait3A_74 = tpu.memref_slice %arg8[%rem3A_58, %dma_wait3A_73] : memref<4x16384xf32, #tpu.memory_space<vmem>> -> memref<1x16384xf32, #tpu.memory_space<vmem>>
        %dma_wait3A_75 = tpu.memref_squeeze %dma_wait3A_74 : memref<1x16384xf32, #tpu.memory_space<vmem>> -> memref<16384xf32, #tpu.memory_space<vmem>>
        %dma_wait3A_76 = arith.constant 0 : i32
        %dma_wait3A_77 = tpu.memref_slice %arg2[%sub3A_49, %dma_wait3A_76] : memref<84x16384xf32, #tpu.memory_space<hbm>> -> memref<1x16384xf32, #tpu.memory_space<hbm>>
        %dma_wait3A_78 = tpu.memref_squeeze %dma_wait3A_77 : memref<1x16384xf32, #tpu.memory_space<hbm>> -> memref<16384xf32, #tpu.memory_space<hbm>>
        tpu.wait_dma2 semaphore(%dma_wait3A_72 : memref<!tpu.dma_semaphore, #tpu.memory_space<semaphore_mem>>) src(%dma_wait3A_78 : memref<16384xf32, #tpu.memory_space<hbm>>) dst(%dma_wait3A_75 : memref<16384xf32, #tpu.memory_space<vmem>>)
        %dma_start3A = arith.constant 0 : i32
        %dma_start3A_79 = tpu.memref_slice %arg8[%rem3A_58, %dma_start3A] : memref<4x16384xf32, #tpu.memory_space<vmem>> -> memref<1x16384xf32, #tpu.memory_space<vmem>>
        %dma_start3A_80 = tpu.memref_squeeze %dma_start3A_79 : memref<1x16384xf32, #tpu.memory_space<vmem>> -> memref<16384xf32, #tpu.memory_space<vmem>>
        %dma_start3A_81 = arith.constant 0 : i32
        %dma_start3A_82 = tpu.memref_slice %arg5[%select_n3A, %sub3A_49, %dma_start3A_81] : memref<3x84x16384xf32, #tpu.memory_space<hbm>> -> memref<1x1x16384xf32, #tpu.memory_space<hbm>>
        %dma_start3A_83 = tpu.memref_squeeze %dma_start3A_82 : memref<1x1x16384xf32, #tpu.memory_space<hbm>> -> memref<16384xf32, #tpu.memory_space<hbm>>
        %dma_start3A_84 = tpu.memref_slice %arg11[%rem3A_58] : memref<4x!tpu.dma_semaphore, #tpu.memory_space<semaphore_mem>> -> memref<1x!tpu.dma_semaphore, #tpu.memory_space<semaphore_mem>>
        %dma_start3A_85 = tpu.memref_squeeze %dma_start3A_84 : memref<1x!tpu.dma_semaphore, #tpu.memory_space<semaphore_mem>> -> memref<!tpu.dma_semaphore, #tpu.memory_space<semaphore_mem>>
        %dma_start3A_86 = arith.constant 0 : i32
        %dma_start3A_87 = tpu.memref_slice %arg5[%select_n3A, %sub3A_49, %dma_start3A_86] : memref<3x84x16384xf32, #tpu.memory_space<hbm>> -> memref<1x1x16384xf32, #tpu.memory_space<hbm>>
        %dma_start3A_88 = tpu.memref_squeeze %dma_start3A_87 : memref<1x1x16384xf32, #tpu.memory_space<hbm>> -> memref<16384xf32, #tpu.memory_space<hbm>>
        %dma_start3A_89 = arith.constant 0 : i32
        %dma_start3A_90 = tpu.memref_slice %arg8[%rem3A_58, %dma_start3A_89] : memref<4x16384xf32, #tpu.memory_space<vmem>> -> memref<1x16384xf32, #tpu.memory_space<vmem>>
        %dma_start3A_91 = tpu.memref_squeeze %dma_start3A_90 : memref<1x16384xf32, #tpu.memory_space<vmem>> -> memref<16384xf32, #tpu.memory_space<vmem>>
        tpu.enqueue_dma source(%dma_start3A_91 : memref<16384xf32, #tpu.memory_space<vmem>>) target(%dma_start3A_88 : memref<16384xf32, #tpu.memory_space<hbm>>) target_semaphore(%dma_start3A_85 : memref<!tpu.dma_semaphore, #tpu.memory_space<semaphore_mem>>)
      } else {
      }
      %convert_element_type3A_60 = arith.extui %and3A_56 : i1 to i32
      %add3A_61 = arith.addi %scan3A_27, %convert_element_type3A_60 : i32
      scf.yield %add3A_61 : i32
    }
    %scan3A_13 = arith.constant 8 : i32
    %scan3A_14 = arith.constant 0 : i32
    %scan3A_15 = arith.constant 0 : i32
    %scan3A_16 = arith.constant 4 : i32
    %scan3A_17 = arith.addi %scan3A_15, %scan3A_16 : i32
    %scan3A_18 = arith.constant 1 : i32
    scf.for %scan3A_26 = %scan3A_15 to %scan3A_17 step %scan3A_18  : i32 {
      %min3A = arith.constant 4 : i32
      %min3A_27 = arith.minsi %scan3A_12, %min3A : i32
      %lt3A = arith.cmpi slt, %scan3A_26, %min3A_27 : i32
      %convert_element_type3A = arith.extui %lt3A : i1 to i32
      %cond3A = arith.constant 0 : i32
      %cond3A_28 = arith.cmpi ne, %convert_element_type3A, %cond3A : i32
      scf.if %cond3A_28 {
        %dma_wait3A = arith.constant 0 : i32
        %dma_wait3A_29 = arith.constant 0 : i32
        %dma_wait3A_30 = arith.constant 0 : i32
        %dma_wait3A_31 = arith.constant 0 : i32
        %dma_wait3A_32 = tpu.memref_slice %arg8[%dma_wait3A, %dma_wait3A_31] : memref<4x16384xf32, #tpu.memory_space<vmem>> -> memref<1x16384xf32, #tpu.memory_space<vmem>>
        %dma_wait3A_33 = tpu.memref_squeeze %dma_wait3A_32 : memref<1x16384xf32, #tpu.memory_space<vmem>> -> memref<16384xf32, #tpu.memory_space<vmem>>
        %dma_wait3A_34 = arith.constant 0 : i32
        %dma_wait3A_35 = tpu.memref_slice %arg5[%dma_wait3A_29, %dma_wait3A_30, %dma_wait3A_34] : memref<3x84x16384xf32, #tpu.memory_space<hbm>> -> memref<1x1x16384xf32, #tpu.memory_space<hbm>>
        %dma_wait3A_36 = tpu.memref_squeeze %dma_wait3A_35 : memref<1x1x16384xf32, #tpu.memory_space<hbm>> -> memref<16384xf32, #tpu.memory_space<hbm>>
        %dma_wait3A_37 = tpu.memref_slice %arg11[%scan3A_26] : memref<4x!tpu.dma_semaphore, #tpu.memory_space<semaphore_mem>> -> memref<1x!tpu.dma_semaphore, #tpu.memory_space<semaphore_mem>>
        %dma_wait3A_38 = tpu.memref_squeeze %dma_wait3A_37 : memref<1x!tpu.dma_semaphore, #tpu.memory_space<semaphore_mem>> -> memref<!tpu.dma_semaphore, #tpu.memory_space<semaphore_mem>>
        %dma_wait3A_39 = arith.constant 0 : i32
        %dma_wait3A_40 = tpu.memref_slice %arg5[%dma_wait3A_29, %dma_wait3A_30, %dma_wait3A_39] : memref<3x84x16384xf32, #tpu.memory_space<hbm>> -> memref<1x1x16384xf32, #tpu.memory_space<hbm>>
        %dma_wait3A_41 = tpu.memref_squeeze %dma_wait3A_40 : memref<1x1x16384xf32, #tpu.memory_space<hbm>> -> memref<16384xf32, #tpu.memory_space<hbm>>
        %dma_wait3A_42 = arith.constant 0 : i32
        %dma_wait3A_43 = tpu.memref_slice %arg8[%dma_wait3A, %dma_wait3A_42] : memref<4x16384xf32, #tpu.memory_space<vmem>> -> memref<1x16384xf32, #tpu.memory_space<vmem>>
        %dma_wait3A_44 = tpu.memref_squeeze %dma_wait3A_43 : memref<1x16384xf32, #tpu.memory_space<vmem>> -> memref<16384xf32, #tpu.memory_space<vmem>>
        tpu.wait_dma2 semaphore(%dma_wait3A_38 : memref<!tpu.dma_semaphore, #tpu.memory_space<semaphore_mem>>) src(%dma_wait3A_44 : memref<16384xf32, #tpu.memory_space<vmem>>) dst(%dma_wait3A_41 : memref<16384xf32, #tpu.memory_space<hbm>>)
      } else {
      }
    }
    %scan3A_19 = arith.constant 4 : i32
    %scan3A_20 = arith.constant 0 : i32
    %scan3A_21 = arith.constant 0 : i32
    %scan3A_22 = arith.constant 8 : i32
    %scan3A_23 = arith.addi %scan3A_21, %scan3A_22 : i32
    %scan3A_24 = arith.constant 1 : i32
    scf.for %scan3A_26 = %scan3A_21 to %scan3A_23 step %scan3A_24  : i32 {
      %mul3A_27 = arith.constant 32 : i32
      %mul3A_28 = arith.muli %scan3A_26, %mul3A_27 : i32
      %add3A_29 = arith.addi %add3A, %mul3A_28 : i32
      %jit3A = arith.constant 84 : i32
      %div3A = arith.divsi %add3A_29, %jit3A : i32
      %sign3A = arith.constant 0 : i32
      %sign3A_30 = arith.cmpi sgt, %add3A_29, %sign3A : i32
      %sign3A_31 = arith.extui %sign3A_30 : i1 to i32
      %sign3A_32 = arith.constant 0 : i32
      %sign3A_33 = arith.cmpi slt, %add3A_29, %sign3A_32 : i32
      %sign3A_34 = arith.extui %sign3A_33 : i1 to i32
      %sign3A_35 = arith.subi %sign3A_31, %sign3A_34 : i32
      %sign3A_36 = arith.constant 0 : i32
      %sign3A_37 = arith.cmpi sgt, %jit3A, %sign3A_36 : i32
      %sign3A_38 = arith.extui %sign3A_37 : i1 to i32
      %sign3A_39 = arith.constant 0 : i32
      %sign3A_40 = arith.cmpi slt, %jit3A, %sign3A_39 : i32
      %sign3A_41 = arith.extui %sign3A_40 : i1 to i32
      %sign3A_42 = arith.subi %sign3A_38, %sign3A_41 : i32
      %ne3A = arith.cmpi ne, %sign3A_35, %sign3A_42 : i32
      %rem3A = arith.remsi %add3A_29, %jit3A : i32
      %ne3A_43 = arith.constant 0 : i32
      %ne3A_44 = arith.cmpi ne, %rem3A, %ne3A_43 : i32
      %and3A = arith.andi %ne3A, %ne3A_44 : i1
      %sub3A = arith.constant 1 : i32
      %sub3A_45 = arith.subi %div3A, %sub3A : i32
      %select_n3A = arith.select %and3A, %sub3A_45, %div3A : i32
      %mul3A_46 = arith.constant 84 : i32
      %mul3A_47 = arith.muli %select_n3A, %mul3A_46 : i32
      %sub3A_48 = arith.subi %add3A_29, %mul3A_47 : i32
      %lt3A = arith.constant 252 : i32
      %lt3A_49 = arith.cmpi slt, %add3A_29, %lt3A : i32
      %jit3A_50 = arith.constant 0 : i32
      %select_n3A_51 = arith.select %lt3A_49, %add3A_29, %jit3A_50 : i32
      %get3A = arith.index_cast %select_n3A_51 : i32 to index
      %get3A_52 = tpu.vector_load %arg6[%get3A] {strides = array<i32>} : memref<272xi32, #tpu.memory_space<vmem>>, vector<16xi32>,
      %get3A_53 = vector.shape_cast %get3A_52 : vector<16xi32> to vector<16xi32>
      %slice3A = vector.extract_strided_slice %get3A_53 {offsets = [0], sizes = [1], strides = [1]} : vector<16xi32> to vector<1xi32>
      %squeeze3A = vector.extract %slice3A[0] : i32 from vector<1xi32>
      %ne3A_54 = arith.constant 0 : i32
      %ne3A_55 = arith.cmpi ne, %squeeze3A, %ne3A_54 : i32
      %and3A_56 = arith.andi %lt3A_49, %ne3A_55 : i1
      %convert_element_type3A = arith.extui %and3A_56 : i1 to i32
      %cond3A = arith.constant 0 : i32
      %cond3A_57 = arith.cmpi ne, %convert_element_type3A, %cond3A : i32
      scf.if %cond3A_57 {
        %dma_wait3A = arith.constant 0 : i32
        %dma_wait3A_58 = tpu.memref_slice %arg5[%select_n3A, %sub3A_48, %dma_wait3A] : memref<3x84x16384xf32, #tpu.memory_space<hbm>> -> memref<1x1x16384xf32, #tpu.memory_space<hbm>>
        %dma_wait3A_59 = tpu.memref_squeeze %dma_wait3A_58 : memref<1x1x16384xf32, #tpu.memory_space<hbm>> -> memref<16384xf32, #tpu.memory_space<hbm>>
        %dma_wait3A_60 = arith.constant 0 : i32
        %dma_wait3A_61 = tpu.memref_slice %arg5[%select_n3A, %sub3A_48, %dma_wait3A_60] : memref<3x84x16384xf32, #tpu.memory_space<hbm>> -> memref<1x1x16384xf32, #tpu.memory_space<hbm>>
        %dma_wait3A_62 = tpu.memref_squeeze %dma_wait3A_61 : memref<1x1x16384xf32, #tpu.memory_space<hbm>> -> memref<16384xf32, #tpu.memory_space<hbm>>
        tpu.wait_dma2 semaphore(%arg9 : memref<!tpu.dma_semaphore, #tpu.memory_space<semaphore_mem>>) src(%arg7 : memref<16384xf32, #tpu.memory_space<vmem>>) dst(%dma_wait3A_62 : memref<16384xf32, #tpu.memory_space<hbm>>)
      } else {
      }
    }
    %scan3A_25 = arith.constant 8 : i32
    return
  }
}

</mosaic_0001>

<sc_bundles>
// kernel: kernel.3.cloned.1.call-start
scs
__scs_entry_jumppad:
0x0: {  	(pc) =	sbr.rel $0x88, $3  }
0x1: {  	(tag) =	ssettag $0x0;
	lr =	simm.s32 $0x1  }
0x2: {  	[smem:$0x3F9F] =	sst lr;
	_ =	strace $0xD0000000  }
0x3: {  	_ = 	snop  }
0x4: {  	_ = 	snop  }
0x5: {  	_ = 	snop  }
0x6: {  	_ = 	snop  }
0x7: {  	_ = 	snop  }
__scs_overlays_trampoline_lowered:
0x8: {  	[smem:$0x3FAE] =	sst s0  }
0x9: {  	[smem:$0x3FAF] =	sst s1  }
0xa: {  	[smem:$0x3FB0] =	sst s2  }
0xb: {  	[smem:$0x3FB1] =	sst s3  }
0xc: {  	[smem:$0x3FB2] =	sst s4  }
0xd: {  	[smem:$0x3FB3] =	sst s5  }
0xe: {  	[smem:$0x3FB4] =	sst s6  }
0xf: {  	[smem:$0x3FB5] =	sst s7  }
0x10: {  	[smem:$0x3FB6] =	sst s8  }
0x11: {  	[smem:$0x3FB7] =	sst s9;
	s0 =	simm.s32 @!p0 $0x0  }
0x12: {  	s1 =	sld [smem:$0x3F9D];
	s0 =	simm.s32 @p0 $0x1  }
0x13: {  	[smem:$0x3FB8] =	sst s0;
	s0 =	simm.s32 @!p1 $0x0  }
0x14: {  	s2 =	sld [smem:$0x3F9C];
	s0 =	simm.s32 @p1 $0x1  }
0x15: {  	[smem:$0x3FB9] =	sst s0;
	s0 =	simm.s32 @!p2 $0x0  }
0x16: {  	s3 =	sld [smem:$0x3FDB];
	s0 =	simm.s32 @p2 $0x1  }
0x17: {  	s4 =	simm.s32 $0x1BF5;
	[smem:$0x3FBB] =	sst s0  }
0x18: {  	s0 =	sld [smem:$0x3F9E];
	_ =	swait.ge [sflag:s4], $0x0  }
0x19: {  	s7 =	sld [smem:$0x3F9F]  }
0x1a: {  	s8 =	sadd.s32 $0xFFFFE003, lr  }
0x1b: {  	s9 =	sadd.s32 $0xFFFFFEF7, lr;
	s5 =	simm.s32 $0xFFFFFFFF;
	p2 =	slt.u32 s8, $0xFFFFF086  }
0x1c: {  	p1 =	slt.u32 s9, $0xF7A;
	s5 =	simm.s32 @!p2 $0x0  }
0x1d: {  	s5 =	simm.s32 @p1 $0x1;
	p0 =	seq.s32 s7, s2  }
0x1e: {  	s7 =	smul.u32 @!p0 $0xF7A, s2;
	p2 =	seq.s32 @!p0 s5, $0x0  }
0x1f: {  	s9 =	smul.u32 $0xF7A, s1;
	s8 =	simm.s32 @!p0 $0x1BF5;
	p2 =	por !p2, p0  }
0x20: {  	[sflag:s8] =	ssyncset.s32 @!p0 $0xFFFFF086;
	s6 =	sadd.s32 @!p0 s3, s7;
	s7 =	simm.s32 @!p0 $0x108  }
0x21: {  	s3 =	sadd.s32 s3, s9;
	s6 =	sadd.s32 @!p0 $0x88, s6;
	s7 =	simm.s32 @p2 $0x1082  }
0x22: {  	[simem:s7], [sflag:s8] =	dma.local @!p0 [hbm:s6], $0xF7A  }
0x23: {  	s9 =	sor.u32 $0xD0000000, s2;
	s6 =	simm.s32 $0x108;
	_ =	swait.ge @!p0 [sflag:s8], $0x0  }
0x24: {  	s3 =	sadd.s32 $0x88, s3;
	s6 =	simm.s32 @!p1 $0x1082;
	[sflag:s4] =	ssyncset.s32 $0xFFFFF086  }
0x25: {  	[simem:s6], [sflag:s4] =	dma.local [hbm:s3], $0xF7A  }
0x26: {  	[smem:$0x3F9F] =	sst s1;
	(tag) =	ssettag s2;
	_ =	strace s9  }
0x27: {  	s1 =	sld [smem:$0x3FAF]  }
0x28: {  	s2 =	sld [smem:$0x3FB0]  }
0x29: {  	s4 =	sld [smem:$0x3FB2]  }
0x2a: {  	p0 =	seq.s32 s5, $0x0;
	s5 =	sld [smem:$0x3FB3]  }
0x2b: {  	s6 =	sld [smem:$0x3FB4]  }
0x2c: {  	s7 =	sld [smem:$0x3FB5]  }
0x2d: {  	s3 =	simm.s32 $0x108;
	s8 =	sld [smem:$0x3FB6]  }
0x2e: {  	s3 =	simm.s32 @!p0 $0x1082;
	s9 =	sld [smem:$0x3FB7]  }
0x2f: {  	lr =	sadd.s32 s0, s3;
	s0 =	sld [smem:$0x3FAE]  }
0x30: {  	s3 =	sld [smem:$0x3FB1]  }
0x31: {  	[smem:$0x3FBA] =	sst s10  }
0x32: {  	s10 =	sld [smem:$0x3FB8];
	_ =	sdelay $0x3  }
0x33: {  	p0 =	seq.s32 s10, $0x1;
	s10 =	sld [smem:$0x3FBA];
	_ =	sdelay $0x3  }
0x34: {  	[smem:$0x3FBA] =	sst s10  }
0x35: {  	s10 =	sld [smem:$0x3FB9];
	_ =	sdelay $0x3  }
0x36: {  	p1 =	seq.s32 s10, $0x1;
	s10 =	sld [smem:$0x3FBA];
	_ =	sdelay $0x3  }
0x37: {  	[smem:$0x3FBA] =	sst s10  }
0x38: {  	s10 =	sld [smem:$0x3FBB]  }
0x39: {  	_ = 	snop;
	(pc) =	sbr.ind lr, $3  }
0x3a: {  	_ = 	snop  }
0x3b: {  	_ = 	snop  }
0x3c: {  	p2 =	seq.s32 s10, $0x1;
	s10 =	sld [smem:$0x3FBA]  }
0x3d: {  	_ =	shalt  }
0x3e: {  	_ =	shalt  }
0x3f: {  	_ =	shalt  }
0x40: {  	_ =	shalt  }
0x41: {  	_ =	shalt  }
0x42: {  	_ =	shalt  }
0x43: {  	_ =	shalt  }
0x44: {  	_ =	shalt  }
0x45: {  	_ =	shalt  }
0x46: {  	_ =	shalt  }
0x47: {  	_ =	shalt  }
0x48: {  	_ =	shalt  }
0x49: {  	_ =	shalt  }
0x4a: {  	_ =	shalt  }
0x4b: {  	_ =	shalt  }
0x4c: {  	_ =	shalt  }
0x4d: {  	_ =	shalt  }
0x4e: {  	_ =	shalt  }
0x4f: {  	_ =	shalt  }
0x50: {  	_ =	shalt  }
0x51: {  	_ =	shalt  }
0x52: {  	_ =	shalt  }
0x53: {  	_ =	shalt  }
0x54: {  	_ =	shalt  }
0x55: {  	_ =	shalt  }
0x56: {  	_ =	shalt  }
0x57: {  	_ =	shalt  }
0x58: {  	_ =	shalt  }
0x59: {  	_ =	shalt  }
0x5a: {  	_ =	shalt  }
0x5b: {  	_ =	shalt  }
0x5c: {  	_ =	shalt  }
0x5d: {  	_ =	shalt  }
0x5e: {  	_ =	shalt  }
0x5f: {  	_ =	shalt  }
0x60: {  	_ =	shalt  }
0x61: {  	_ =	shalt  }
0x62: {  	_ =	shalt  }
0x63: {  	_ =	shalt  }
0x64: {  	_ =	shalt  }
0x65: {  	_ =	shalt  }
0x66: {  	_ =	shalt  }
0x67: {  	_ =	shalt  }
0x68: {  	_ =	shalt  }
0x69: {  	_ =	shalt  }
0x6a: {  	_ =	shalt  }
0x6b: {  	_ =	shalt  }
0x6c: {  	_ =	shalt  }
0x6d: {  	_ =	shalt  }
0x6e: {  	_ =	shalt  }
0x6f: {  	_ =	shalt  }
0x70: {  	_ =	shalt  }
0x71: {  	_ =	shalt  }
0x72: {  	_ =	shalt  }
0x73: {  	_ =	shalt  }
0x74: {  	_ =	shalt  }
0x75: {  	_ =	shalt  }
0x76: {  	_ =	shalt  }
0x77: {  	_ =	shalt  }
0x78: {  	_ =	shalt  }
0x79: {  	_ =	shalt  }
0x7a: {  	_ =	shalt  }
0x7b: {  	_ =	shalt  }
0x7c: {  	_ =	shalt  }
0x7d: {  	_ =	shalt  }
0x7e: {  	_ =	shalt  }
0x7f: {  	_ =	shalt  }
0x80: {  	_ =	shalt  }
0x81: {  	_ =	shalt  }
0x82: {  	_ =	shalt  }
0x83: {  	_ =	shalt  }
0x84: {  	_ =	shalt  }
0x85: {  	_ =	shalt  }
0x86: {  	_ =	shalt  }
0x87: {  	_ =	shalt  }
.Lfunc_end0:
.L_simem_size_0:
called_computation_lowered:
.L_overlay_start_0:
0x88: {  	s2 =	sld [smem:$0x3FD9]  }
0x89: {  	s3 =	sld [smem:$0x3FFE];
	_ =	sdelay $0x1  }
0x8a: {  	s1 =	srdreg.scid  }
0x8b: {  	s0 =	sand.u32 $0x1, s1  }
0x8c: {  	s17 =	sshll.u32 s0, $0xA;
	s2 =	sadd.s32 s3, s2  }
0x8d: {  	s2 =	sadd.s32 s2, s17  }
0x8e: {  	[smem:$0x3FC6] =	sst s2  }
0x8f: {  	_ = 	snop  }
0x90: {  	s2 =	sld [smem:$0x3FC9]  }
0x91: {  	s18 =	sld [smem:$0x3FD0];
	(tm) =	ssettm $0x1  }
0x92: {  	s4 =	sld [smem:$0x3FFB];
	_ =	sdelay $0x3  }
0x93: {  	_ =	strace s4  }
0x94: {  	s4 =	sld [smem:$0x3FFC];
	_ =	sdelay $0x3  }
0x95: {  	_ =	strace s4  }
0x96: {  	s4 =	sld [smem:$0x3FFD];
	_ =	sdelay $0x3  }
0x97: {  	_ =	strace s4  }
0x98: {  	_ =	strace $0x8FFFFFFF  }
0x99: {  	s19 =	sld [smem:$0x3FDB];
	_ =	sdelay $0x1  }
0x9a: {  	s5 =	simm.s32 $_scs_section_size  }
0x9b: {  	s6 =	simm.s32 $_size__tile_overlayer_lowered;
	s7 =	simm.s32 $_tile_overlayer_lowered  }
0x9c: {  	s22 =	simm.s32 $0x1BFF;
	s21 =	sshll.u32 s7, $0x1;
	s4 =	sadd.s32 s5, s19  }
0x9d: {  	s8 =	simm.s32 $0x0;
	s20 =	sshll.u32 s6, $0x1;
	s6 =	sadd.s32 s21, s4  }
0x9e: {  	[timem:s8], [sflag:s22] =	dma.local [hbm:s6], s20  }
0x9f: {  	_ =	swait.ge [sflag:s22], s20  }
0xa0: {  	s5 =	ssub.s32 $0x0, s20;
	[sflag:s22] =	ssyncset.done $0x0  }
0xa1: {  	[sflag:s22] =	ssyncadd.s32 s5;
	_ =	sdelay $0x1  }
0xa2: {  	s23 =	simm.s32 $0x1B8B  }
0xa3: {  	_ =	swait.ge [sflag:s23], $0x1  }
0xa4: {  	[sflag:s23] =	ssyncset.done $0x0  }
0xa5: {  	s25 =	simm.s32 $0x1B8E;
	s24 =	sld [smem:$0x3FFE];
	[sflag:s23] =	ssyncadd.s32 $0xFFFFFFFF  }
0xa6: {  	s26 =	simm.s32 $execute0_lowered;
	[smem:$0x3FD2] =	sst s25  }
0xa7: {  	s6 =	sshll.u32 s26, $0x1;
	_ =	strace $0x80000046;
	[dreg:$0x1] =	wrdreg $0xFFFFFFFF  }
0xa8: {  	s28 =	simm.s32 $_size_execute0_lowered;
	s4 =	sadd.s32 s4, s6;
	[dreg:$0x0] =	wrdreg $0x0  }
0xa9: {  	s6 =	sshll.u32 s28, $0x1;
	[dreg:$0x2] =	wrdreg s4  }
0xaa: {  	[dreg:$0x3] =	wrdreg s6  }
0xab: {  	[dreg:$0x4] =	wrdreg $0xC0  }
0xac: {  	_ =	task [dreg:s8], $0x5FFFF  }
0xad: {  	[dreg:$0x1] =	wrdreg $0xFFFFFFFF  }
0xae: {  	[dreg:$0x0] =	wrdreg $0x60  }
0xaf: {  	[dreg:$0x2] =	wrdreg s2  }
0xb0: {  	[dreg:$0x3] =	wrdreg s24  }
0xb1: {  	[dreg:$0x4] =	wrdreg s18  }
0xb2: {  	[dreg:$0x5] =	wrdreg $0x9  }
0xb3: {  	_ =	task.clear_ibuf [dreg:s8], $0x6FFFF;
	_ =	strace $0x90000046  }
0xb4: {  	s29 =	simm.s32 $0x9;
	_ =	strace $0x80000048  }
0xb5: {  	_ =	swait.ge [sflag:s29], $0x1  }
0xb6: {  	[sflag:s29] =	ssyncadd.s32 $0xFFFFFFFF  }
0xb7: {  	_ =	strace $0x90000048  }
0xb8: {  	_ =	sfence  }
0xb9: {  	s30 =	sld [smem:$0x0];
	_ =	sdelay $0x2  }
0xba: {  	s31 =	sshll.u32 s1, $0xD;
	s1 =	sshrl.u32 s1, $0x2  }
0xbb: {  	s3 =	sand.u32 $0x4000, s31;
	s1 =	sadd.s32 s1, s30  }
0xbc: {  	s0 =	sor.u32 s3, s0;
	s1 =	sshll.u32 s1, $0x11  }
0xbd: {  	s0 =	sor.u32 s1, s0  }
0xbe: {  	s0 =	sadd.s32 $0x8F2B, s0  }
0xbf: {  	[sflag:s0] =	ssyncadd.remote.s32 $0x1  }
0xc0: {  	_ =	sfence.sel $0xFFFF  }
0xc1: {  	[dreg:$0x0] =	wrdreg $0xFFFFFFFF;
	(pc) =	sbr.abs _section_cstart, $3  }
0xc2: {  	[dreg:$0x1] =	wrdreg $0xFFFFFFFF  }
0xc3: {  	_ =	task.clear_ibuf [dreg:s8], $0x2FFFF;
	_ =	strace $0x9FFFFFFF  }
0xc4: {  	(tm) =	ssettm $0x7FFFFFFF  }
0xc5: {  	_ =	shalt  }
tec
execute0_lowered:
.L_overlay_start_1:
0x0: {  	(tag) =	ssettag $0x1  }
0x1: {  	s1 =	rddreg [dreg:$0x0]  }
0x2: {  	s7 =	rddreg [dreg:$0x1]  }
0x3: {  	s2 =	rddreg [dreg:$0x2]  }
0x4: {  	s3 =	srdreg.scid;
	s0 =	rddreg [dreg:$0x3]  }
0x5: {  	s4 =	simm.s32 $0x0;
	s11 =	simm.s32 $0xA;
	s12 =	simm.s32 $0x0  }
0x6: {  	s6 =	sand.u32 $0x1, s3;
	[smem:$0x7FF] =	sst s4;
	s3 =	stileid.u32  }
.Ltmp0:
0x7: {  	s8 =	ssub.s32 $0x2, s6;
	s10 =	sshll.u32 s3, $0x1;
	(pc) =	sbr.rel .LBB2_1-.Ltmp0, $4  }
0x8: {  	s5 =	sadd.s32 $0x600, s7;
	s9 =	sshrl.u32 s8, $0x1;
	s6 =	sor.u32 s6, s10  }
0x9: {  	s7 =	sadd.s32 $0x400, s7;
	s8 =	ssub.s32 s8, s9;
	s9 =	sor.u32 $0xE0, s6  }
0xa: {  	_ =	strace $0x80000047;
	s10 =	simm.s32 $0x180;
	p1 =	slt.u32 s9, $0xFC  }
0xb: {  	s8 =	smax.u32 s8, $0x1;
	p0 =	sgt.u32 s9, $0xFB;
	s9 =	simm.s32 @!p1 $0x0  }
.LBB2_18:
0xc: {  	p1 =	sgt.s32 s13, $0x0  }
0xd: {  	s14 =	simm.s32 @p1 $0x6;
	p2 =	seq.s32 @p1 s13, $0x1  }
0xe: {  	_ =	swait.ge @p1 [sflag:s14], $0x4000;
	p3 =	por p2, !p1  }
0xf: {  	[sflag:s14] =	ssyncset.done @p1 $0x0;
	p4 =	slt.u32 @!p3 s13, $0x3  }
0x10: {  	[sflag:s14] =	ssyncadd.s32 @p1 $0xFFFFC000;
	s14 =	simm.s32 @!p3 $0x7;
	p5 =	por @p1 p4, p2  }
0x11: {  	_ =	swait.ge @!p3 [sflag:s14], $0x4000;
	p5 =	por p5, !p1  }
0x12: {  	[sflag:s14] =	ssyncset.done @!p3 $0x0;
	p6 =	seq.s32 @!p5 s13, $0x3  }
0x13: {  	s13 =	simm.s32 @!p5 $0x8;
	p4 =	por @!p3 p6, p4;
	[sflag:s14] =	ssyncadd.s32 @!p3 $0xFFFFC000  }
0x14: {  	_ =	swait.ge @!p5 [sflag:s13], $0x4000;
	p2 =	por @p1 p4, p2  }
0x15: {  	[sflag:s13] =	ssyncset.done @!p5 $0x0;
	p1 =	por p2, !p1  }
0x16: {  	[sflag:s13] =	ssyncadd.s32 @!p5 $0xFFFFC000;
	s13 =	simm.s32 @!p1 $0x9  }
0x17: {  	_ =	swait.ge @!p1 [sflag:s13], $0x4000  }
0x18: {  	[sflag:s13] =	ssyncset.done @!p1 $0x0  }
0x19: {  	[sflag:s13] =	ssyncadd.s32 @!p1 $0xFFFFC000  }
0x1a: {  	v0 =	vld [tilespmem:s6+$0x0];
	_ =	sdelay $0x4  }
0x1b: {  	(v2sf) =	vpush v0, $0x0;
	_ =	sdelay $0xe  }
0x1c: {  	s24 =	spop (v2sf)  }
0x1d: {  	p1 =	seq.s32 s24, $0x0  }
0x1e: {  	s13 =	simm.s32 @!p1 $0x1  }
0x1f: {  	_ =	swait.ge @!p1 [sflag:s13], $0x4000  }
0x20: {  	[sflag:s13] =	ssyncset.done @!p1 $0x0  }
0x21: {  	[sflag:s13] =	ssyncadd.s32 @!p1 $0xFFFFC000  }
0x22: {  	v57 =	vld [tilespmem:s6+$0x20];
	_ =	sdelay $0x4  }
0x23: {  	(v2sf) =	vpush v57, $0x0;
	_ =	sdelay $0xe  }
0x24: {  	s25 =	spop (v2sf)  }
0x25: {  	p1 =	seq.s32 s25, $0x0  }
0x26: {  	s13 =	simm.s32 @!p1 $0x1  }
0x27: {  	_ =	swait.ge @!p1 [sflag:s13], $0x4000  }
0x28: {  	[sflag:s13] =	ssyncset.done @!p1 $0x0  }
0x29: {  	[sflag:s13] =	ssyncadd.s32 @!p1 $0xFFFFC000  }
0x2a: {  	v58 =	vld [tilespmem:s6+$0x40];
	_ =	sdelay $0x4  }
0x2b: {  	(v2sf) =	vpush v58, $0x0;
	_ =	sdelay $0xe  }
0x2c: {  	s26 =	spop (v2sf)  }
0x2d: {  	p1 =	seq.s32 s26, $0x0  }
0x2e: {  	s13 =	simm.s32 @!p1 $0x1  }
0x2f: {  	_ =	swait.ge @!p1 [sflag:s13], $0x4000  }
0x30: {  	[sflag:s13] =	ssyncset.done @!p1 $0x0  }
0x31: {  	[sflag:s13] =	ssyncadd.s32 @!p1 $0xFFFFC000  }
0x32: {  	v59 =	vld [tilespmem:s6+$0x60];
	_ =	sdelay $0x4  }
0x33: {  	(v2sf) =	vpush v59, $0x0;
	_ =	sdelay $0xe  }
0x34: {  	s28 =	spop (v2sf)  }
0x35: {  	p1 =	seq.s32 s28, $0x0  }
0x36: {  	s13 =	simm.s32 @!p1 $0x1  }
0x37: {  	_ =	swait.ge @!p1 [sflag:s13], $0x4000  }
0x38: {  	[sflag:s13] =	ssyncset.done @!p1 $0x0  }
0x39: {  	[sflag:s13] =	ssyncadd.s32 @!p1 $0xFFFFC000  }
0x3a: {  	v60 =	vld [tilespmem:s6+$0x80];
	_ =	sdelay $0x4  }
0x3b: {  	(v2sf) =	vpush v60, $0x0;
	_ =	sdelay $0xe  }
0x3c: {  	s29 =	spop (v2sf)  }
0x3d: {  	p1 =	seq.s32 s29, $0x0  }
0x3e: {  	s13 =	simm.s32 @!p1 $0x1  }
0x3f: {  	_ =	swait.ge @!p1 [sflag:s13], $0x4000  }
0x40: {  	[sflag:s13] =	ssyncset.done @!p1 $0x0  }
0x41: {  	[sflag:s13] =	ssyncadd.s32 @!p1 $0xFFFFC000  }
0x42: {  	v61 =	vld [tilespmem:s6+$0xA0];
	_ =	sdelay $0x4  }
0x43: {  	(v2sf) =	vpush v61, $0x0;
	_ =	sdelay $0xe  }
0x44: {  	s30 =	spop (v2sf)  }
0x45: {  	p1 =	seq.s32 s30, $0x0  }
0x46: {  	s13 =	simm.s32 @!p1 $0x1  }
0x47: {  	_ =	swait.ge @!p1 [sflag:s13], $0x4000  }
0x48: {  	[sflag:s13] =	ssyncset.done @!p1 $0x0  }
0x49: {  	[sflag:s13] =	ssyncadd.s32 @!p1 $0xFFFFC000  }
0x4a: {  	v62 =	vld [tilespmem:s6+$0xC0];
	_ =	sdelay $0x4  }
0x4b: {  	(v2sf) =	vpush v62, $0x0;
	_ =	sdelay $0xe  }
0x4c: {  	s31 =	spop (v2sf)  }
0x4d: {  	p1 =	seq.s32 s31, $0x0  }
0x4e: {  	s13 =	simm.s32 @!p1 $0x1  }
0x4f: {  	_ =	swait.ge @!p1 [sflag:s13], $0x4000  }
0x50: {  	[sflag:s13] =	ssyncset.done @!p1 $0x0  }
0x51: {  	[sflag:s13] =	ssyncadd.s32 @!p1 $0xFFFFC000  }
0x52: {  	v63 =	vld [tilespmem:s9+$0x0];
	_ =	sdelay $0x4  }
0x53: {  	(v2sf) =	vpush v63, $0x0;
	_ =	sdelay $0xe  }
0x54: {  	s12 =	sadd.s32 $0x1, s12;
	s13 =	spop (v2sf)  }
0x55: {  	p2 =	sne.s32 s12, s8;
	p1 =	seq.s32 @!p0 s13, $0x0  }
.Ltmp1:
0x56: {  	p1 =	por p1, p0;
	(pc) =	sbr.rel @!p2 .LBB2_19-.Ltmp1, $4  }
0x57: {  	s13 =	simm.s32 @!p1 $0x1  }
0x58: {  	_ =	swait.ge @!p1 [sflag:s13], $0x4000  }
0x59: {  	[sflag:s13] =	ssyncset.done @!p1 $0x0  }
0x5a: {  	[sflag:s13] =	ssyncadd.s32 @!p1 $0xFFFFC000  }
.LBB2_1:
0x5b: {  	[tilespmem:s10], [sflag:$0xA] =	stream.linear.gather [hbm4b:s5+s4], $0x4000, $0x38;
	[tilespmem:$0x14180] =	vst v63  }
0x5c: {  	_ =	swait.ge [sflag:s11], $0x4000  }
0x5d: {  	[sflag:s11] =	ssyncset.done $0x0  }
.Ltmp2:
0x5e: {  	[sflag:s11] =	ssyncadd.s32 $0xFFFFC000;
	(pc) =	sbr.rel .LBB2_2-.Ltmp2, $4  }
0x5f: {  	[tilespmem:s4], [sflag:$0xA] =	stream.linear.gather [hbm4b:s7+s4], $0x180, $0x38;
	[tilespmem:$0x14180] =	vst v63  }
0x60: {  	_ =	swait.ge [sflag:s11], $0x180  }
0x61: {  	[sflag:s11] =	ssyncset.done $0x0  }
0x62: {  	s13 =	simm.s32 $0x0;
	s14 =	simm.s32 $0x0;
	[sflag:s11] =	ssyncadd.s32 $0xFFFFFE80  }
.LBB2_6:
0x63: {  	s15 =	simm.s32 $0x1;
	s14 =	sadd.s32 $0x1, s14  }
0x64: {  	s15 =	simm.s32 @!p1 $0x0;
	p1 =	seq.s32 s14, $0x8  }
.Ltmp3:
0x65: {  	_ = 	snop;
	(pc) =	sbr.rel @p1 .LBB2_7-.Ltmp3, $2  }
0x66: {  	_ =	sdelay $0x2  }
0x67: {  	s13 =	sadd.s32 s15, s13  }
.LBB2_2:
0x68: {  	s15 =	sshll.u32 s14, $0x5  }
0x69: {  	s16 =	sor.u32 s6, s15  }
0x6a: {  	s15 =	smulhi.u32 $0x30C30C31, s16;
	_ =	sdelay $0x1  }
0x6b: {  	s17 =	sshrl.u32 s15, $0x4  }
0x6c: {  	s15 =	smul.u32 $0xFFFFFFAC, s17  }
0x6d: {  	p1 =	slt.u32 s16, $0xFC  }
0x6e: {  	p2 =	sgt.u32 s16, $0xFB;
	s15 =	sadd.s32 s16, s15;
	s16 =	simm.s32 @!p1 $0x0  }
0x6f: {  	v0 =	vld [tilespmem:s16+$0x0];
	_ =	sdelay $0x4  }
0x70: {  	(v2sf) =	vpush v0, $0x0;
	_ =	sdelay $0xe  }
0x71: {  	s16 =	spop (v2sf)  }
0x72: {  	p3 =	seq.s32 @!p2 s16, $0x0  }
0x73: {  	p2 =	por p3, p2  }
0x74: {  	s17 =	smul.u32 @!p2 $0x160000, s17;
	s18 =	sshll.u32 @!p2 s15, $0xE  }
0x75: {  	p4 =	seq.s32 s16, $0x0;
	s19 =	sshll.u32 @!p2 s15, $0x7;
	s18 =	sand.u32 @!p2 $0xFFFE0000, s18  }
0x76: {  	p1 =	por !p1, !p4;
	s17 =	sadd.s32 @!p2 s17, s18;
	s18 =	sand.u32 @!p2 $0x380, s19  }
0x77: {  	p5 =	sgt.s32 s13, $0x3;
	p1 =	por !p1, !p1;
	s16 =	sor.u32 @!p2 s18, s17  }
0x78: {  	p6 =	por !p1, !p1;
	s19 =	simm.s32 @!p2 $0x180;
	s16 =	sshrl.u32 @!p2 s16, $0x3  }
0x79: {  	s17 =	simm.s32 @!p2 $0x80;
	s18 =	simm.s32 @!p2 $0x400;
	s16 =	sadd.s32 @!p2 s2, s16  }
0x7a: {  	[hbm4b:s16+s17] =	stream.strided.scatter @!p2 [tilespmem:s19], [sflag:$0x1], $0x4000, s18, s17, $0x38;
	[tilespmem:$0x14180] =	vst v63  }
0x7b: {  	p2 =	por p5, p6  }
.Ltmp4:
0x7c: {  	_ = 	snop;
	(pc) =	sbr.rel @p2 .LBB2_6-.Ltmp4, $1  }
0x7d: {  	_ =	sdelay $0x3  }
0x7e: {  	s16 =	sshll.u32 s13, $0xE;
	s17 =	sshll.u32 s15, $0xE;
	s31 =	sshll.u32 s15, $0x7  }
0x7f: {  	s18 =	sshll.u32 s13, $0x7;
	s17 =	sand.u32 $0xFFFE0000, s17;
	s15 =	sand.u32 $0x380, s31  }
0x80: {  	s16 =	sand.u32 $0xFFFF0000, s16;
	s18 =	sand.u32 $0x180, s18;
	s15 =	sor.u32 s15, s17  }
0x81: {  	s16 =	sor.u32 s18, s16;
	s17 =	sshrl.u32 s15, $0x3  }
0x82: {  	s18 =	simm.s32 $0x80;
	s16 =	sadd.s32 $0x4180, s16;
	s17 =	sadd.s32 s1, s17  }
0x83: {  	s15 =	sadd.s32 $0x2, s13;
	s19 =	sadd.s32 $0x200, s16;
	s20 =	sadd.s32 $0x0, s17  }
.LBB2_4:
0x84: {  	[tilespmem:s16], [sflag:s15] =	stream.linear.gather [hbm4b:s20+s4], $0x80, $0x38;
	[tilespmem:$0x14180] =	vst v63  }
0x85: {  	s20 =	smov.u32 s18;
	s16 =	smov.u32 s19;
	p2 =	sne.s32 s18, $0x3F80  }
.Ltmp5:
0x86: {  	s18 =	sadd.s32 $0x80, s18;
	(pc) =	sbr.rel @p2 .LBB2_4-.Ltmp5, $2  }
0x87: {  	_ =	sdelay $0x2  }
0x88: {  	s19 =	sadd.s32 $0x200, s19;
	s20 =	sadd.s32 s20, s17  }
.Ltmp6:
0x89: {  	(pc) =	sbr.rel .LBB2_6-.Ltmp6, $2  }
0x8a: {  	_ =	sdelay $0x2  }
0x8b: {  	[tilespmem:s16], [sflag:s15] =	stream.linear.gather [hbm4b:s20+s4], $0x80, $0x38;
	[tilespmem:$0x14180] =	vst v63  }
.LBB2_7:
.Ltmp7:
0x8c: {  	(pc) =	sbr.rel .LBB2_8-.Ltmp7, $2  }
0x8d: {  	_ =	sdelay $0x2  }
0x8e: {  	s13 =	simm.s32 $0x0;
	s14 =	simm.s32 $0x0  }
.LBB2_17:
0x8f: {  	s15 =	simm.s32 $0x1;
	s14 =	sadd.s32 $0x1, s14  }
0x90: {  	s15 =	simm.s32 @!p1 $0x0;
	p1 =	seq.s32 s14, $0x8  }
.Ltmp8:
0x91: {  	_ = 	snop;
	(pc) =	sbr.rel @p1 .LBB2_18-.Ltmp8, $2  }
0x92: {  	_ =	sdelay $0x2  }
0x93: {  	s13 =	sadd.s32 s15, s13  }
.LBB2_8:
0x94: {  	s15 =	sshll.u32 s14, $0x5  }
0x95: {  	s15 =	sor.u32 s6, s15  }
0x96: {  	p1 =	slt.u32 s15, $0xFC;
	s16 =	smov.u32 s15  }
0x97: {  	s16 =	simm.s32 @!p1 $0x0  }
0x98: {  	v0 =	vld [tilespmem:s16+$0x0];
	_ =	sdelay $0x4  }
0x99: {  	(v2sf) =	vpush v0, $0x0;
	_ =	sdelay $0xe  }
0x9a: {  	s31 =	spop (v2sf)  }
0x9b: {  	p2 =	seq.s32 s31, $0x0  }
0x9c: {  	p1 =	por !p1, !p2  }
0x9d: {  	p1 =	por !p1, !p1  }
.Ltmp9:
0x9e: {  	_ = 	snop;
	(pc) =	sbr.rel @!p1 .LBB2_17-.Ltmp9, $1  }
0x9f: {  	_ =	sdelay $0x3  }
0xa0: {  	s16 =	smulhi.u32 $0x30C30C31, s15  }
0xa1: {  	s17 =	sshra.s32 s13, $0x1F;
	p2 =	sgt.s32 s13, $0x3  }
.Ltmp10:
0xa2: {  	s17 =	sshrl.u32 s17, $0x1E;
	s16 =	sshrl.u32 s16, $0x4;
	(pc) =	sbr.rel @!p2 .LBB2_10-.Ltmp10, $4  }
0xa3: {  	s17 =	sadd.s32 s17, s13;
	s18 =	smul.u32 $0xFFFFFFAC, s16  }
0xa4: {  	s17 =	sand.u32 $0xFFFFFFFC, s17  }
0xa5: {  	s17 =	ssub.s32 s13, s17;
	s18 =	sadd.s32 s15, s18  }
0xa6: {  	s15 =	sadd.s32 $0x6, s17;
	s19 =	sshll.u32 s18, $0xE;
	s18 =	sshll.u32 s18, $0x7  }
0xa7: {  	s20 =	sshll.u32 s17, $0x9;
	s19 =	sand.u32 $0xFFFE0000, s19;
	s18 =	sand.u32 $0x380, s18  }
0xa8: {  	_ =	swait.ge [sflag:s15], $0x4000;
	s23 =	simm.s32 $0x80;
	s21 =	sor.u32 s18, s19  }
0xa9: {  	s20 =	sshra.s32 s20, $0x2;
	[sflag:s15] =	ssyncset.done $0x0;
	s22 =	sshrl.u32 s21, $0x3  }
0xaa: {  	s20 =	sadd.s32 $0x4180, s20;
	[sflag:s15] =	ssyncadd.s32 $0xFFFFC000;
	s22 =	sadd.s32 s1, s22  }
0xab: {  	s21 =	sadd.s32 $0x2, s17;
	s24 =	sadd.s32 $0x200, s20;
	s25 =	sadd.s32 $0x0, s22  }
.LBB2_12:
0xac: {  	[tilespmem:s20], [sflag:s21] =	stream.linear.gather [hbm4b:s25+s4], $0x80, $0x38;
	[tilespmem:$0x14180] =	vst v63  }
0xad: {  	s25 =	smov.u32 s23;
	s20 =	smov.u32 s24;
	p2 =	sne.s32 s23, $0x3F80  }
.Ltmp11:
0xae: {  	s23 =	sadd.s32 $0x80, s23;
	(pc) =	sbr.rel @p2 .LBB2_12-.Ltmp11, $2  }
0xaf: {  	_ =	sdelay $0x2  }
0xb0: {  	s24 =	sadd.s32 $0x200, s24;
	s25 =	sadd.s32 s25, s22  }
.Ltmp12:
0xb1: {  	(pc) =	sbr.rel .LBB2_14-.Ltmp12, $2  }
0xb2: {  	_ =	sdelay $0x2  }
0xb3: {  	[tilespmem:s20], [sflag:s21] =	stream.linear.gather [hbm4b:s25+s4], $0x80, $0x38;
	[tilespmem:$0x14180] =	vst v63  }
.LBB2_10:
0xb4: {  	s19 =	sand.u32 $0xFFFE0000, s19;
	s18 =	sand.u32 $0x380, s18  }
.LBB2_14:
0xb5: {  	s16 =	smul.u32 $0x160000, s16  }
0xb6: {  	s20 =	sadd.s32 $0x2, s17  }
0xb7: {  	s21 =	sand.u32 $0xFFFF0000, s17;
	s31 =	sshll.u32 s17, $0x7;
	s16 =	sadd.s32 s16, s19  }
0xb8: {  	s17 =	sand.u32 $0x180, s31;
	_ =	swait.ge [sflag:s20], $0x4000;
	s16 =	sor.u32 s18, s16  }
0xb9: {  	s17 =	sor.u32 s17, s21;
	[sflag:s20] =	ssyncset.done $0x0;
	s18 =	sshrl.u32 s16, $0x3  }
0xba: {  	[sflag:s20] =	ssyncadd.s32 $0xFFFFC000;
	s16 =	sadd.s32 $0x4180, s17;
	s17 =	sadd.s32 s2, s18  }
0xbb: {  	s18 =	simm.s32 $0x80;
	s19 =	sadd.s32 $0x200, s16;
	s20 =	sadd.s32 $0x0, s17  }
.LBB2_15:
0xbc: {  	[hbm4b:s20+s4] =	stream.linear.scatter [tilespmem:s16], [sflag:s15], $0x80, $0x38;
	[tilespmem:$0x14180] =	vst v63  }
0xbd: {  	s20 =	smov.u32 s18;
	s16 =	smov.u32 s19;
	p2 =	sne.s32 s18, $0x3F80  }
.Ltmp13:
0xbe: {  	s18 =	sadd.s32 $0x80, s18;
	(pc) =	sbr.rel @p2 .LBB2_15-.Ltmp13, $2  }
0xbf: {  	_ =	sdelay $0x2  }
0xc0: {  	s19 =	sadd.s32 $0x200, s19;
	s20 =	sadd.s32 s20, s17  }
.Ltmp14:
0xc1: {  	(pc) =	sbr.rel .LBB2_17-.Ltmp14, $2  }
0xc2: {  	_ =	sdelay $0x2  }
0xc3: {  	[hbm4b:s20+s4] =	stream.linear.scatter [tilespmem:s16], [sflag:s15], $0x80, $0x38;
	[tilespmem:$0x14180] =	vst v63  }
.LBB2_19:
0xc4: {  	_ =	sfence.sel $0x180000  }
0xc5: {  	[bflag:$0x0] =	sbarrier.arrive $0xFFFF  }
0xc6: {  	p0 =	sne.s32 s3, $0x0;
	_ =	strace $0x90000047  }
0xc7: {  	s0 =	sadd.s32 @!p0 $0x100000, s0;
	[bflag:$0x2] =	sbarrier.arrive $0xFFFF  }
0xc8: {  	[sflag:s0] =	ssyncadd.tile.s32 @!p0 $0x1;
	_ =	shalt  }
.Lfunc_end2:
_tile_overlayer_lowered:
.L_overlay_start_2:
0xc9: {  	(tag) =	ssettag $0x2  }
0xca: {  	s0 =	rddreg [dreg:$0x0];
	s2 =	stileid.u32  }
0xcb: {  	s1 =	rddreg [dreg:$0x1];
	p0 =	sne.s32 s2, $0x0  }
0xcc: {  	s3 =	rddreg [dreg:$0x2];
	[bflag:$0x3] =	sbarrier.arrive $0xFFFF;
	s2 =	simm.s32 @!p0 $0x1C0A  }
0xcd: {  	[timem:s3], [sflag:s2] =	dma.local @!p0 [hbm:s0], s1  }
0xce: {  	s0 =	simm.s32 @!p0 $0xA  }
0xcf: {  	_ =	swait.ge @!p0 [sflag:s0], s1  }
0xd0: {  	s1 =	ssub.s32 @!p0 $0x0, s1;
	[sflag:s0] =	ssyncset.done @!p0 $0x0  }
0xd1: {  	[sflag:s0] =	ssyncadd.s32 @!p0 s1  }
0xd2: {  	[bflag:$0x3] =	sbarrier.arrive $0xFFFF  }
0xd3: {  	_ =	shalt  }

</sc_bundles>
